<compile_context>
chip_gen: v7x
topology: tpu7x:2x2x1
jax: 0.10.2.dev20260603
libtpu: 0.0.44.dev20260713+nightly
codegen_flags: <defaults>
</compile_context>

<pallas_src>
import functools

import jax
import jax.numpy as jnp
import numpy as np
from jax import lax
from jax.experimental import pallas as pl
from jax.experimental.pallas import tpu as pltpu
from jax.experimental.pallas import tpu_sc as plsc

NC = 2
NS = 16
NW = NC * NS

CHUNK_ROWS = 512


@functools.partial(jax.jit, static_argnames=("batch", "seq", "embed"))
def _sc_gather_pool(x_flat, table, dst_pat, zeros, *, batch, seq, embed):
    elems_per_w = batch // NW
    rows_per_w = elems_per_w * seq
    nchunks = rows_per_w // CHUNK_ROWS
    assert nchunks % 2 == 0
    mesh = plsc.VectorSubcoreMesh(core_axis_name="c", subcore_axis_name="s")

    @functools.partial(
        pl.kernel,
        out_type=jax.ShapeDtypeStruct((batch, embed), jnp.float32),
        mesh=mesh,
        compiler_params=pltpu.CompilerParams(use_tc_tiling_on_sc=False),
        scratch_types=[
            pltpu.VMEM((rows_per_w,), jnp.int32),
            pltpu.VMEM((CHUNK_ROWS, embed), jnp.float32),
            pltpu.VMEM((CHUNK_ROWS, embed), jnp.float32),
            pltpu.VMEM((nchunks, CHUNK_ROWS), jnp.int32),
            pltpu.VMEM_SHARED((NS * elems_per_w, embed), jnp.float32),
            pltpu.SemaphoreType.DMA,
            pltpu.SemaphoreType.DMA,
        ],
    )
    def k(x_hbm, table_hbm, dstpat_hbm, zeros_hbm, out_hbm,
          idx_v, buf0, buf1, dst_v, acc_sh, sem0, sem1):
        c = lax.axis_index("c")
        s = lax.axis_index("s")
        wid = s * NC + c
        row_base = wid * rows_per_w
        bufs = (buf0, buf1)
        sems = (sem0, sem1)

        pltpu.sync_copy(x_hbm.at[pl.ds(row_base, rows_per_w)], idx_v)
        pltpu.sync_copy(dstpat_hbm.at[wid], dst_v)
        pltpu.sync_copy(zeros_hbm, acc_sh.at[pl.ds(s * elems_per_w, elems_per_w)])

        def start_gather(i, b):
            pltpu.async_copy(
                table_hbm.at[idx_v.at[pl.ds(i * CHUNK_ROWS, CHUNK_ROWS)]],
                bufs[b], sems[b])

        def pool(i, b):
            pltpu.sync_copy(bufs[b], acc_sh.at[dst_v.at[i]], add=True)

        start_gather(0, 0)

        def pair(g, _):
            i0 = g * 2
            pltpu.make_async_copy(table_hbm, buf0, sem0).wait()
            start_gather(i0 + 1, 1)
            pool(i0, 0)
            pltpu.make_async_copy(table_hbm, buf1, sem1).wait()
            start_gather(i0 + 2, 0)
            pool(i0 + 1, 1)
            return ()

        lax.fori_loop(0, nchunks // 2 - 1, pair, (), unroll=False)

        pltpu.make_async_copy(table_hbm, buf0, sem0).wait()
        start_gather(nchunks - 1, 1)
        pool(nchunks - 2, 0)
        pltpu.make_async_copy(table_hbm, buf1, sem1).wait()
        pool(nchunks - 1, 1)

        pltpu.sync_copy(acc_sh.at[pl.ds(s * elems_per_w, elems_per_w)],
                        out_hbm.at[pl.ds(wid * elems_per_w, elems_per_w)])

    return k(x_flat, table, dst_pat, zeros)


def _dense_softmax(pooled_sum, W, b2, inv_seq, block_b):
    batch, embed = pooled_sum.shape
    out = W.shape[1]

    def body(p_ref, w_ref, b_ref, o_ref):
        logits = jnp.dot(p_ref[...] * inv_seq, w_ref[...],
                         preferred_element_type=jnp.float32) + b_ref[...]
        m = jnp.max(logits, axis=-1, keepdims=True)
        e = jnp.exp(logits - m)
        o_ref[...] = e / jnp.sum(e, axis=-1, keepdims=True)

    return pl.pallas_call(
        body,
        grid=(batch // block_b,),
        in_specs=[
            pl.BlockSpec((block_b, embed), lambda i: (i, 0)),
            pl.BlockSpec((embed, out), lambda i: (0, 0)),
            pl.BlockSpec((1, out), lambda i: (0, 0)),
        ],
        out_specs=pl.BlockSpec((block_b, out), lambda i: (i, 0)),
        out_shape=jax.ShapeDtypeStruct((batch, out), jnp.float32),
    )(pooled_sum, W, b2)


def kernel(x, table, W, b):
    batch, seq = x.shape
    vocab, embed = table.shape
    elems_per_w = batch // NW

    e_idx = np.repeat(np.arange(elems_per_w, dtype=np.int32), seq)
    dst_pat = (e_idx[None, :] +
               (np.arange(NW, dtype=np.int32)[:, None] // NC) * elems_per_w)
    dst_pat = dst_pat.reshape(NW, -1, CHUNK_ROWS).astype(np.int32)
    zeros = jnp.zeros((elems_per_w, embed), jnp.float32)

    pooled_sum = _sc_gather_pool(x.reshape(-1), table, jnp.asarray(dst_pat),
                                 zeros, batch=batch, seq=seq, embed=embed)
    return _dense_softmax(pooled_sum, W, b.reshape(1, -1), 1.0 / seq, 256)

# --- scband reference (transcript-rebuilt; emitter-appended) ---
"""Pipeline reference for scband-fast-text-4389456576661 (READ-ONLY COPY).

The authoritative reference and input builder live on the scoring server;
editing this copy changes nothing except your own understanding.
"""

import jax, jax.numpy as jnp
import numpy as np

VOCAB = 1000000
EMBED = 64
SEQ = 200
BATCH = 4096
OUT = 128

def setup_inputs(seed: int = 0) -> dict:
    key = jax.random.key(seed)
    k1, k2, k3, k4 = jax.random.split(key, 4)
    x = jax.random.randint(k1, (BATCH, SEQ), 0, VOCAB, dtype=jnp.int64 if jax.config.read('jax_enable_x64') else jnp.int32)
    table = jax.random.normal(k2, (VOCAB, EMBED), dtype=jnp.float32) * 0.05
    W = jax.random.normal(k3, (EMBED, OUT), dtype=jnp.float32) * (1.0 / np.sqrt(EMBED))
    b = jnp.zeros((OUT,), dtype=jnp.float32)
    return {"x": x, "table": table, "W": W, "b": b}

def reference(x, table, W, b):
    # Embedding lookup (gather)
    emb = jnp.take(table, x, axis=0)          # [B, SEQ, EMBED]
    # GlobalAveragePooling1D over the sequence axis
    pooled = jnp.mean(emb, axis=1)            # [B, EMBED]
    # Dense with softmax activation
    logits = pooled @ W + b                   # [B, OUT]
    return jax.nn.softmax(logits, axis=-1)

if __name__ == "__main__":
    import jax
    _d = setup_inputs()
    print(jax.jit(kernel)(*tuple(_d.values())))

</pallas_src>

<mosaic_0001>
#map = affine_map<(d0, d1) -> (0)>
#map1 = affine_map<(d0, d1) -> (0, 0)>
#map2 = affine_map<(d0, d1) -> (0, 0, 0)>
module attributes {stable_mosaic.version = 14 : i64} {
  func.func @k(%arg0: i32, %arg1: i32, %arg2: memref<819200xi32, #tpu.memory_space<hbm>>, %arg3: memref<1000000x64xf32, #tpu.memory_space<hbm>>, %arg4: memref<32x50x512xi32, #tpu.memory_space<hbm>>, %arg5: memref<128x64xf32, #tpu.memory_space<hbm>>, %arg6: memref<4096x64xf32, #tpu.memory_space<hbm>>, %arg7: memref<25600xi32, #tpu.memory_space<vmem>>, %arg8: memref<512x64xf32, #tpu.memory_space<vmem>>, %arg9: memref<512x64xf32, #tpu.memory_space<vmem>>, %arg10: memref<50x512xi32, #tpu.memory_space<vmem>>, %arg11: memref<2048x64xf32, #tpu.memory_space<vmem_shared>>, %arg12: memref<!tpu.dma_semaphore, #tpu.memory_space<semaphore_mem>>, %arg13: memref<!tpu.dma_semaphore, #tpu.memory_space<semaphore_mem>>) attributes {dimension_semantics = [#tpu.dimension_semantics<core_parallel>, #tpu.dimension_semantics<subcore_parallel>], iteration_bounds = array<i64: 2, 16>, scalar_prefetch = 0 : i64, scratch_operands = 7 : i64, tpu.core_type = #tpu.core_type<sc_vector_subcore>, window_params = [{transform_indices = #map}, {transform_indices = #map1}, {transform_indices = #map2}, {transform_indices = #map1}, {transform_indices = #map1}]} {
    %mul3A = arith.constant 2 : i32
    %mul3A_0 = arith.muli %arg1, %mul3A : i32
    %add3A = arith.addi %mul3A_0, %arg0 : i32
    %mul3A_1 = arith.constant 25600 : i32
    %mul3A_2 = arith.muli %add3A, %mul3A_1 : i32
    "tpu.region"() ({
      %run_scoped3A_23 = tpu.sem_alloc : memref<!tpu.dma_semaphore, #tpu.memory_space<semaphore_mem>>
      %dma_start3A_24 = tpu.memref_slice %arg2[%mul3A_2] : memref<819200xi32, #tpu.memory_space<hbm>> -> memref<25600xi32, #tpu.memory_space<hbm>>
      %dma_start3A_25 = tpu.memref_slice %arg2[%mul3A_2] : memref<819200xi32, #tpu.memory_space<hbm>> -> memref<25600xi32, #tpu.memory_space<hbm>>
      tpu.enqueue_dma source(%dma_start3A_25 : memref<25600xi32, #tpu.memory_space<hbm>>) target(%arg7 : memref<25600xi32, #tpu.memory_space<vmem>>) target_semaphore(%run_scoped3A_23 : memref<!tpu.dma_semaphore, #tpu.memory_space<semaphore_mem>>)
      %dma_wait3A = tpu.memref_slice %arg2[%mul3A_2] : memref<819200xi32, #tpu.memory_space<hbm>> -> memref<25600xi32, #tpu.memory_space<hbm>>
      %dma_wait3A_26 = tpu.memref_slice %arg2[%mul3A_2] : memref<819200xi32, #tpu.memory_space<hbm>> -> memref<25600xi32, #tpu.memory_space<hbm>>
      tpu.wait_dma2 semaphore(%run_scoped3A_23 : memref<!tpu.dma_semaphore, #tpu.memory_space<semaphore_mem>>) src(%dma_wait3A_26 : memref<25600xi32, #tpu.memory_space<hbm>>) dst(%arg7 : memref<25600xi32, #tpu.memory_space<vmem>>)
      tpu.yield
    }) : () -> ()
    "tpu.region"() ({
      %run_scoped3A_23 = tpu.sem_alloc : memref<!tpu.dma_semaphore, #tpu.memory_space<semaphore_mem>>
      %dma_start3A_24 = arith.constant 0 : i32
      %dma_start3A_25 = arith.constant 0 : i32
      %dma_start3A_26 = tpu.memref_slice %arg4[%add3A, %dma_start3A_24, %dma_start3A_25] : memref<32x50x512xi32, #tpu.memory_space<hbm>> -> memref<1x50x512xi32, #tpu.memory_space<hbm>>
      %dma_start3A_27 = tpu.memref_squeeze %dma_start3A_26 : memref<1x50x512xi32, #tpu.memory_space<hbm>> -> memref<50x512xi32, #tpu.memory_space<hbm>>
      %dma_start3A_28 = arith.constant 0 : i32
      %dma_start3A_29 = arith.constant 0 : i32
      %dma_start3A_30 = tpu.memref_slice %arg4[%add3A, %dma_start3A_28, %dma_start3A_29] : memref<32x50x512xi32, #tpu.memory_space<hbm>> -> memref<1x50x512xi32, #tpu.memory_space<hbm>>
      %dma_start3A_31 = tpu.memref_squeeze %dma_start3A_30 : memref<1x50x512xi32, #tpu.memory_space<hbm>> -> memref<50x512xi32, #tpu.memory_space<hbm>>
      tpu.enqueue_dma source(%dma_start3A_31 : memref<50x512xi32, #tpu.memory_space<hbm>>) target(%arg10 : memref<50x512xi32, #tpu.memory_space<vmem>>) target_semaphore(%run_scoped3A_23 : memref<!tpu.dma_semaphore, #tpu.memory_space<semaphore_mem>>)
      %dma_wait3A = arith.constant 0 : i32
      %dma_wait3A_32 = arith.constant 0 : i32
      %dma_wait3A_33 = tpu.memref_slice %arg4[%add3A, %dma_wait3A, %dma_wait3A_32] : memref<32x50x512xi32, #tpu.memory_space<hbm>> -> memref<1x50x512xi32, #tpu.memory_space<hbm>>
      %dma_wait3A_34 = tpu.memref_squeeze %dma_wait3A_33 : memref<1x50x512xi32, #tpu.memory_space<hbm>> -> memref<50x512xi32, #tpu.memory_space<hbm>>
      %dma_wait3A_35 = arith.constant 0 : i32
      %dma_wait3A_36 = arith.constant 0 : i32
      %dma_wait3A_37 = tpu.memref_slice %arg4[%add3A, %dma_wait3A_35, %dma_wait3A_36] : memref<32x50x512xi32, #tpu.memory_space<hbm>> -> memref<1x50x512xi32, #tpu.memory_space<hbm>>
      %dma_wait3A_38 = tpu.memref_squeeze %dma_wait3A_37 : memref<1x50x512xi32, #tpu.memory_space<hbm>> -> memref<50x512xi32, #tpu.memory_space<hbm>>
      tpu.wait_dma2 semaphore(%run_scoped3A_23 : memref<!tpu.dma_semaphore, #tpu.memory_space<semaphore_mem>>) src(%dma_wait3A_38 : memref<50x512xi32, #tpu.memory_space<hbm>>) dst(%arg10 : memref<50x512xi32, #tpu.memory_space<vmem>>)
      tpu.yield
    }) : () -> ()
    %mul3A_3 = arith.constant 128 : i32
    %mul3A_4 = arith.muli %arg1, %mul3A_3 : i32
    "tpu.region"() ({
      %run_scoped3A_23 = tpu.sem_alloc : memref<!tpu.dma_semaphore, #tpu.memory_space<semaphore_mem>>
      %dma_start3A_24 = arith.constant 0 : i32
      %dma_start3A_25 = tpu.memref_slice %arg11[%mul3A_4, %dma_start3A_24] : memref<2048x64xf32, #tpu.memory_space<vmem_shared>> -> memref<128x64xf32, #tpu.memory_space<vmem_shared>>
      tpu.enqueue_dma source(%arg5 : memref<128x64xf32, #tpu.memory_space<hbm>>) target(%dma_start3A_25 : memref<128x64xf32, #tpu.memory_space<vmem_shared>>) target_semaphore(%run_scoped3A_23 : memref<!tpu.dma_semaphore, #tpu.memory_space<semaphore_mem>>)
      %dma_wait3A = arith.constant 0 : i32
      %dma_wait3A_26 = tpu.memref_slice %arg11[%mul3A_4, %dma_wait3A] : memref<2048x64xf32, #tpu.memory_space<vmem_shared>> -> memref<128x64xf32, #tpu.memory_space<vmem_shared>>
      tpu.wait_dma2 semaphore(%run_scoped3A_23 : memref<!tpu.dma_semaphore, #tpu.memory_space<semaphore_mem>>) src(%arg5 : memref<128x64xf32, #tpu.memory_space<hbm>>) dst(%dma_wait3A_26 : memref<128x64xf32, #tpu.memory_space<vmem_shared>>)
      tpu.yield
    }) : () -> ()
    %dma_start3A = arith.constant 0 : i32
    %dma_start3A_5 = tpu.memref_slice %arg7[%dma_start3A] : memref<25600xi32, #tpu.memory_space<vmem>> -> memref<512xi32, #tpu.memory_space<vmem>>
    %dma_start3A_6 = arith.constant 0 : i32
    %dma_start3A_7 = arith.constant 0 : i32
    %dma_start3A_8 = tpu.memref_slice %arg3[%dma_start3A_6, %dma_start3A_7] : memref<1000000x64xf32, #tpu.memory_space<hbm>> -> memref<1000000x64xf32, #tpu.memory_space<hbm>>
    tpu.enqueue_indirect_dma source(%dma_start3A_8 : memref<1000000x64xf32, #tpu.memory_space<hbm>>) target(%arg8 : memref<512x64xf32, #tpu.memory_space<vmem>>) offsets(%dma_start3A_5 : memref<512xi32, #tpu.memory_space<vmem>>) semaphore(%arg12 : memref<!tpu.dma_semaphore, #tpu.memory_space<semaphore_mem>>)
    %scan3A = arith.constant 0 : i32
    %scan3A_9 = arith.constant 24 : i32
    %scan3A_10 = arith.addi %scan3A, %scan3A_9 : i32
    %scan3A_11 = arith.constant 1 : i32
    scf.for %scan3A_23 = %scan3A to %scan3A_10 step %scan3A_11  : i32 {
      %mul3A_24 = arith.constant 2 : i32
      %mul3A_25 = arith.muli %scan3A_23, %mul3A_24 : i32
      tpu.wait_dma2 semaphore(%arg12 : memref<!tpu.dma_semaphore, #tpu.memory_space<semaphore_mem>>) src(%arg3 : memref<1000000x64xf32, #tpu.memory_space<hbm>>) dst(%arg8 : memref<512x64xf32, #tpu.memory_space<vmem>>)
      %add3A_26 = arith.constant 1 : i32
      %add3A_27 = arith.addi %mul3A_25, %add3A_26 : i32
      %mul3A_28 = arith.constant 512 : i32
      %mul3A_29 = arith.muli %add3A_27, %mul3A_28 : i32
      %dma_start3A_30 = tpu.memref_slice %arg7[%mul3A_29] : memref<25600xi32, #tpu.memory_space<vmem>> -> memref<512xi32, #tpu.memory_space<vmem>>
      %dma_start3A_31 = arith.constant 0 : i32
      %dma_start3A_32 = arith.constant 0 : i32
      %dma_start3A_33 = tpu.memref_slice %arg3[%dma_start3A_31, %dma_start3A_32] : memref<1000000x64xf32, #tpu.memory_space<hbm>> -> memref<1000000x64xf32, #tpu.memory_space<hbm>>
      tpu.enqueue_indirect_dma source(%dma_start3A_33 : memref<1000000x64xf32, #tpu.memory_space<hbm>>) target(%arg9 : memref<512x64xf32, #tpu.memory_space<vmem>>) offsets(%dma_start3A_30 : memref<512xi32, #tpu.memory_space<vmem>>) semaphore(%arg13 : memref<!tpu.dma_semaphore, #tpu.memory_space<semaphore_mem>>)
      "tpu.region"() ({
        %run_scoped3A_44 = tpu.sem_alloc : memref<!tpu.dma_semaphore, #tpu.memory_space<semaphore_mem>>
        %dma_start3A_45 = arith.constant 0 : i32
        %dma_start3A_46 = tpu.memref_slice %arg10[%mul3A_25, %dma_start3A_45] : memref<50x512xi32, #tpu.memory_space<vmem>> -> memref<1x512xi32, #tpu.memory_space<vmem>>
        %dma_start3A_47 = tpu.memref_squeeze %dma_start3A_46 : memref<1x512xi32, #tpu.memory_space<vmem>> -> memref<512xi32, #tpu.memory_space<vmem>>
        %dma_start3A_48 = arith.constant 0 : i32
        %dma_start3A_49 = arith.constant 0 : i32
        %dma_start3A_50 = tpu.memref_slice %arg11[%dma_start3A_48, %dma_start3A_49] : memref<2048x64xf32, #tpu.memory_space<vmem_shared>> -> memref<2048x64xf32, #tpu.memory_space<vmem_shared>>
        tpu.enqueue_indirect_dma source(%arg8 : memref<512x64xf32, #tpu.memory_space<vmem>>) target(%dma_start3A_50 : memref<2048x64xf32, #tpu.memory_space<vmem_shared>>) offsets(%dma_start3A_47 : memref<512xi32, #tpu.memory_space<vmem>>) semaphore(%run_scoped3A_44 : memref<!tpu.dma_semaphore, #tpu.memory_space<semaphore_mem>>) {add = true}
        %dma_wait3A = arith.constant 0 : i32
        %dma_wait3A_51 = tpu.memref_slice %arg10[%mul3A_25, %dma_wait3A] : memref<50x512xi32, #tpu.memory_space<vmem>> -> memref<1x512xi32, #tpu.memory_space<vmem>>
        %dma_wait3A_52 = tpu.memref_squeeze %dma_wait3A_51 : memref<1x512xi32, #tpu.memory_space<vmem>> -> memref<512xi32, #tpu.memory_space<vmem>>
        %dma_wait3A_53 = arith.constant 0 : i32
        %dma_wait3A_54 = arith.constant 0 : i32
        %dma_wait3A_55 = tpu.memref_slice %arg11[%dma_wait3A_53, %dma_wait3A_54] : memref<2048x64xf32, #tpu.memory_space<vmem_shared>> -> memref<2048x64xf32, #tpu.memory_space<vmem_shared>>
        tpu.wait_indirect_dma semaphore(%run_scoped3A_44 : memref<!tpu.dma_semaphore, #tpu.memory_space<semaphore_mem>>) src(%arg8 : memref<512x64xf32, #tpu.memory_space<vmem>>) dst(%dma_wait3A_55 : memref<2048x64xf32, #tpu.memory_space<vmem_shared>>)
        tpu.yield
      }) : () -> ()
      tpu.wait_dma2 semaphore(%arg13 : memref<!tpu.dma_semaphore, #tpu.memory_space<semaphore_mem>>) src(%arg3 : memref<1000000x64xf32, #tpu.memory_space<hbm>>) dst(%arg9 : memref<512x64xf32, #tpu.memory_space<vmem>>)
      %add3A_34 = arith.constant 2 : i32
      %add3A_35 = arith.addi %mul3A_25, %add3A_34 : i32
      %mul3A_36 = arith.constant 512 : i32
      %mul3A_37 = arith.muli %add3A_35, %mul3A_36 : i32
      %dma_start3A_38 = tpu.memref_slice %arg7[%mul3A_37] : memref<25600xi32, #tpu.memory_space<vmem>> -> memref<512xi32, #tpu.memory_space<vmem>>
      %dma_start3A_39 = arith.constant 0 : i32
      %dma_start3A_40 = arith.constant 0 : i32
      %dma_start3A_41 = tpu.memref_slice %arg3[%dma_start3A_39, %dma_start3A_40] : memref<1000000x64xf32, #tpu.memory_space<hbm>> -> memref<1000000x64xf32, #tpu.memory_space<hbm>>
      tpu.enqueue_indirect_dma source(%dma_start3A_41 : memref<1000000x64xf32, #tpu.memory_space<hbm>>) target(%arg8 : memref<512x64xf32, #tpu.memory_space<vmem>>) offsets(%dma_start3A_38 : memref<512xi32, #tpu.memory_space<vmem>>) semaphore(%arg12 : memref<!tpu.dma_semaphore, #tpu.memory_space<semaphore_mem>>)
      %add3A_42 = arith.constant 1 : i32
      %add3A_43 = arith.addi %mul3A_25, %add3A_42 : i32
      "tpu.region"() ({
        %run_scoped3A_44 = tpu.sem_alloc : memref<!tpu.dma_semaphore, #tpu.memory_space<semaphore_mem>>
        %dma_start3A_45 = arith.constant 0 : i32
        %dma_start3A_46 = tpu.memref_slice %arg10[%add3A_43, %dma_start3A_45] : memref<50x512xi32, #tpu.memory_space<vmem>> -> memref<1x512xi32, #tpu.memory_space<vmem>>
        %dma_start3A_47 = tpu.memref_squeeze %dma_start3A_46 : memref<1x512xi32, #tpu.memory_space<vmem>> -> memref<512xi32, #tpu.memory_space<vmem>>
        %dma_start3A_48 = arith.constant 0 : i32
        %dma_start3A_49 = arith.constant 0 : i32
        %dma_start3A_50 = tpu.memref_slice %arg11[%dma_start3A_48, %dma_start3A_49] : memref<2048x64xf32, #tpu.memory_space<vmem_shared>> -> memref<2048x64xf32, #tpu.memory_space<vmem_shared>>
        tpu.enqueue_indirect_dma source(%arg9 : memref<512x64xf32, #tpu.memory_space<vmem>>) target(%dma_start3A_50 : memref<2048x64xf32, #tpu.memory_space<vmem_shared>>) offsets(%dma_start3A_47 : memref<512xi32, #tpu.memory_space<vmem>>) semaphore(%run_scoped3A_44 : memref<!tpu.dma_semaphore, #tpu.memory_space<semaphore_mem>>) {add = true}
        %dma_wait3A = arith.constant 0 : i32
        %dma_wait3A_51 = tpu.memref_slice %arg10[%add3A_43, %dma_wait3A] : memref<50x512xi32, #tpu.memory_space<vmem>> -> memref<1x512xi32, #tpu.memory_space<vmem>>
        %dma_wait3A_52 = tpu.memref_squeeze %dma_wait3A_51 : memref<1x512xi32, #tpu.memory_space<vmem>> -> memref<512xi32, #tpu.memory_space<vmem>>
        %dma_wait3A_53 = arith.constant 0 : i32
        %dma_wait3A_54 = arith.constant 0 : i32
        %dma_wait3A_55 = tpu.memref_slice %arg11[%dma_wait3A_53, %dma_wait3A_54] : memref<2048x64xf32, #tpu.memory_space<vmem_shared>> -> memref<2048x64xf32, #tpu.memory_space<vmem_shared>>
        tpu.wait_indirect_dma semaphore(%run_scoped3A_44 : memref<!tpu.dma_semaphore, #tpu.memory_space<semaphore_mem>>) src(%arg9 : memref<512x64xf32, #tpu.memory_space<vmem>>) dst(%dma_wait3A_55 : memref<2048x64xf32, #tpu.memory_space<vmem_shared>>)
        tpu.yield
      }) : () -> ()
    }
    %scan3A_12 = arith.constant 24 : i32
    tpu.wait_dma2 semaphore(%arg12 : memref<!tpu.dma_semaphore, #tpu.memory_space<semaphore_mem>>) src(%arg3 : memref<1000000x64xf32, #tpu.memory_space<hbm>>) dst(%arg8 : memref<512x64xf32, #tpu.memory_space<vmem>>)
    %dma_start3A_13 = arith.constant 25088 : i32
    %dma_start3A_14 = tpu.memref_slice %arg7[%dma_start3A_13] : memref<25600xi32, #tpu.memory_space<vmem>> -> memref<512xi32, #tpu.memory_space<vmem>>
    %dma_start3A_15 = arith.constant 0 : i32
    %dma_start3A_16 = arith.constant 0 : i32
    %dma_start3A_17 = tpu.memref_slice %arg3[%dma_start3A_15, %dma_start3A_16] : memref<1000000x64xf32, #tpu.memory_space<hbm>> -> memref<1000000x64xf32, #tpu.memory_space<hbm>>
    tpu.enqueue_indirect_dma source(%dma_start3A_17 : memref<1000000x64xf32, #tpu.memory_space<hbm>>) target(%arg9 : memref<512x64xf32, #tpu.memory_space<vmem>>) offsets(%dma_start3A_14 : memref<512xi32, #tpu.memory_space<vmem>>) semaphore(%arg13 : memref<!tpu.dma_semaphore, #tpu.memory_space<semaphore_mem>>)
    %run_scoped3A = arith.constant 48 : i32
    "tpu.region"() ({
      %run_scoped3A_23 = tpu.sem_alloc : memref<!tpu.dma_semaphore, #tpu.memory_space<semaphore_mem>>
      %dma_start3A_24 = arith.constant 0 : i32
      %dma_start3A_25 = tpu.memref_slice %arg10[%run_scoped3A, %dma_start3A_24] : memref<50x512xi32, #tpu.memory_space<vmem>> -> memref<1x512xi32, #tpu.memory_space<vmem>>
      %dma_start3A_26 = tpu.memref_squeeze %dma_start3A_25 : memref<1x512xi32, #tpu.memory_space<vmem>> -> memref<512xi32, #tpu.memory_space<vmem>>
      %dma_start3A_27 = arith.constant 0 : i32
      %dma_start3A_28 = arith.constant 0 : i32
      %dma_start3A_29 = tpu.memref_slice %arg11[%dma_start3A_27, %dma_start3A_28] : memref<2048x64xf32, #tpu.memory_space<vmem_shared>> -> memref<2048x64xf32, #tpu.memory_space<vmem_shared>>
      tpu.enqueue_indirect_dma source(%arg8 : memref<512x64xf32, #tpu.memory_space<vmem>>) target(%dma_start3A_29 : memref<2048x64xf32, #tpu.memory_space<vmem_shared>>) offsets(%dma_start3A_26 : memref<512xi32, #tpu.memory_space<vmem>>) semaphore(%run_scoped3A_23 : memref<!tpu.dma_semaphore, #tpu.memory_space<semaphore_mem>>) {add = true}
      %dma_wait3A = arith.constant 0 : i32
      %dma_wait3A_30 = tpu.memref_slice %arg10[%run_scoped3A, %dma_wait3A] : memref<50x512xi32, #tpu.memory_space<vmem>> -> memref<1x512xi32, #tpu.memory_space<vmem>>
      %dma_wait3A_31 = tpu.memref_squeeze %dma_wait3A_30 : memref<1x512xi32, #tpu.memory_space<vmem>> -> memref<512xi32, #tpu.memory_space<vmem>>
      %dma_wait3A_32 = arith.constant 0 : i32
      %dma_wait3A_33 = arith.constant 0 : i32
      %dma_wait3A_34 = tpu.memref_slice %arg11[%dma_wait3A_32, %dma_wait3A_33] : memref<2048x64xf32, #tpu.memory_space<vmem_shared>> -> memref<2048x64xf32, #tpu.memory_space<vmem_shared>>
      tpu.wait_indirect_dma semaphore(%run_scoped3A_23 : memref<!tpu.dma_semaphore, #tpu.memory_space<semaphore_mem>>) src(%arg8 : memref<512x64xf32, #tpu.memory_space<vmem>>) dst(%dma_wait3A_34 : memref<2048x64xf32, #tpu.memory_space<vmem_shared>>)
      tpu.yield
    }) : () -> ()
    tpu.wait_dma2 semaphore(%arg13 : memref<!tpu.dma_semaphore, #tpu.memory_space<semaphore_mem>>) src(%arg3 : memref<1000000x64xf32, #tpu.memory_space<hbm>>) dst(%arg9 : memref<512x64xf32, #tpu.memory_space<vmem>>)
    %run_scoped3A_18 = arith.constant 49 : i32
    "tpu.region"() ({
      %run_scoped3A_23 = tpu.sem_alloc : memref<!tpu.dma_semaphore, #tpu.memory_space<semaphore_mem>>
      %dma_start3A_24 = arith.constant 0 : i32
      %dma_start3A_25 = tpu.memref_slice %arg10[%run_scoped3A_18, %dma_start3A_24] : memref<50x512xi32, #tpu.memory_space<vmem>> -> memref<1x512xi32, #tpu.memory_space<vmem>>
      %dma_start3A_26 = tpu.memref_squeeze %dma_start3A_25 : memref<1x512xi32, #tpu.memory_space<vmem>> -> memref<512xi32, #tpu.memory_space<vmem>>
      %dma_start3A_27 = arith.constant 0 : i32
      %dma_start3A_28 = arith.constant 0 : i32
      %dma_start3A_29 = tpu.memref_slice %arg11[%dma_start3A_27, %dma_start3A_28] : memref<2048x64xf32, #tpu.memory_space<vmem_shared>> -> memref<2048x64xf32, #tpu.memory_space<vmem_shared>>
      tpu.enqueue_indirect_dma source(%arg9 : memref<512x64xf32, #tpu.memory_space<vmem>>) target(%dma_start3A_29 : memref<2048x64xf32, #tpu.memory_space<vmem_shared>>) offsets(%dma_start3A_26 : memref<512xi32, #tpu.memory_space<vmem>>) semaphore(%run_scoped3A_23 : memref<!tpu.dma_semaphore, #tpu.memory_space<semaphore_mem>>) {add = true}
      %dma_wait3A = arith.constant 0 : i32
      %dma_wait3A_30 = tpu.memref_slice %arg10[%run_scoped3A_18, %dma_wait3A] : memref<50x512xi32, #tpu.memory_space<vmem>> -> memref<1x512xi32, #tpu.memory_space<vmem>>
      %dma_wait3A_31 = tpu.memref_squeeze %dma_wait3A_30 : memref<1x512xi32, #tpu.memory_space<vmem>> -> memref<512xi32, #tpu.memory_space<vmem>>
      %dma_wait3A_32 = arith.constant 0 : i32
      %dma_wait3A_33 = arith.constant 0 : i32
      %dma_wait3A_34 = tpu.memref_slice %arg11[%dma_wait3A_32, %dma_wait3A_33] : memref<2048x64xf32, #tpu.memory_space<vmem_shared>> -> memref<2048x64xf32, #tpu.memory_space<vmem_shared>>
      tpu.wait_indirect_dma semaphore(%run_scoped3A_23 : memref<!tpu.dma_semaphore, #tpu.memory_space<semaphore_mem>>) src(%arg9 : memref<512x64xf32, #tpu.memory_space<vmem>>) dst(%dma_wait3A_34 : memref<2048x64xf32, #tpu.memory_space<vmem_shared>>)
      tpu.yield
    }) : () -> ()
    %mul3A_19 = arith.constant 128 : i32
    %mul3A_20 = arith.muli %arg1, %mul3A_19 : i32
    %mul3A_21 = arith.constant 128 : i32
    %mul3A_22 = arith.muli %add3A, %mul3A_21 : i32
    "tpu.region"() ({
      %run_scoped3A_23 = tpu.sem_alloc : memref<!tpu.dma_semaphore, #tpu.memory_space<semaphore_mem>>
      %dma_start3A_24 = arith.constant 0 : i32
      %dma_start3A_25 = tpu.memref_slice %arg6[%mul3A_22, %dma_start3A_24] : memref<4096x64xf32, #tpu.memory_space<hbm>> -> memref<128x64xf32, #tpu.memory_space<hbm>>
      %dma_start3A_26 = arith.constant 0 : i32
      %dma_start3A_27 = tpu.memref_slice %arg11[%mul3A_20, %dma_start3A_26] : memref<2048x64xf32, #tpu.memory_space<vmem_shared>> -> memref<128x64xf32, #tpu.memory_space<vmem_shared>>
      tpu.enqueue_dma source(%dma_start3A_27 : memref<128x64xf32, #tpu.memory_space<vmem_shared>>) target(%dma_start3A_25 : memref<128x64xf32, #tpu.memory_space<hbm>>) target_semaphore(%run_scoped3A_23 : memref<!tpu.dma_semaphore, #tpu.memory_space<semaphore_mem>>)
      %dma_wait3A = arith.constant 0 : i32
      %dma_wait3A_28 = tpu.memref_slice %arg6[%mul3A_22, %dma_wait3A] : memref<4096x64xf32, #tpu.memory_space<hbm>> -> memref<128x64xf32, #tpu.memory_space<hbm>>
      %dma_wait3A_29 = arith.constant 0 : i32
      %dma_wait3A_30 = tpu.memref_slice %arg11[%mul3A_20, %dma_wait3A_29] : memref<2048x64xf32, #tpu.memory_space<vmem_shared>> -> memref<128x64xf32, #tpu.memory_space<vmem_shared>>
      tpu.wait_dma2 semaphore(%run_scoped3A_23 : memref<!tpu.dma_semaphore, #tpu.memory_space<semaphore_mem>>) src(%dma_wait3A_30 : memref<128x64xf32, #tpu.memory_space<vmem_shared>>) dst(%dma_wait3A_28 : memref<128x64xf32, #tpu.memory_space<hbm>>)
      tpu.yield
    }) : () -> ()
    return
  }
}

</mosaic_0001>

<sc_bundles>
// kernel: _sc_gather_pool.3.cloned.1.call-start
scs
__scs_entry_jumppad:
0x0: {  	(pc) =	sbr.rel $0x88, $3  }
0x1: {  	(tag) =	ssettag $0x0;
	lr =	simm.s32 $0x1  }
0x2: {  	[smem:$0x3F9D] =	sst lr;
	_ =	strace $0xD0000000  }
0x3: {  	_ = 	snop  }
0x4: {  	_ = 	snop  }
0x5: {  	_ = 	snop  }
0x6: {  	_ = 	snop  }
0x7: {  	_ = 	snop  }
__scs_overlays_trampoline_lowered:
0x8: {  	[smem:$0x3FAC] =	sst s0  }
0x9: {  	[smem:$0x3FAD] =	sst s1  }
0xa: {  	[smem:$0x3FAE] =	sst s2  }
0xb: {  	[smem:$0x3FAF] =	sst s3  }
0xc: {  	[smem:$0x3FB0] =	sst s4  }
0xd: {  	[smem:$0x3FB1] =	sst s5  }
0xe: {  	[smem:$0x3FB2] =	sst s6  }
0xf: {  	[smem:$0x3FB3] =	sst s7  }
0x10: {  	[smem:$0x3FB4] =	sst s8  }
0x11: {  	[smem:$0x3FB5] =	sst s9;
	s0 =	simm.s32 @!p0 $0x0  }
0x12: {  	s1 =	sld [smem:$0x3F9B];
	s0 =	simm.s32 @p0 $0x1  }
0x13: {  	[smem:$0x3FB6] =	sst s0;
	s0 =	simm.s32 @!p1 $0x0  }
0x14: {  	s2 =	sld [smem:$0x3F9A];
	s0 =	simm.s32 @p1 $0x1  }
0x15: {  	[smem:$0x3FB7] =	sst s0;
	s0 =	simm.s32 @!p2 $0x0  }
0x16: {  	s3 =	sld [smem:$0x3FDB];
	s0 =	simm.s32 @p2 $0x1  }
0x17: {  	s4 =	simm.s32 $0x1BF5;
	[smem:$0x3FB9] =	sst s0  }
0x18: {  	s0 =	sld [smem:$0x3F9C];
	_ =	swait.ge [sflag:s4], $0x0  }
0x19: {  	s7 =	sld [smem:$0x3F9D]  }
0x1a: {  	s8 =	sadd.s32 $0xFFFFE003, lr  }
0x1b: {  	s9 =	sadd.s32 $0xFFFFFEF7, lr;
	s5 =	simm.s32 $0xFFFFFFFF;
	p2 =	slt.u32 s8, $0xFFFFF086  }
0x1c: {  	p1 =	slt.u32 s9, $0xF7A;
	s5 =	simm.s32 @!p2 $0x0  }
0x1d: {  	s5 =	simm.s32 @p1 $0x1;
	p0 =	seq.s32 s7, s2  }
0x1e: {  	s7 =	smul.u32 @!p0 $0xF7A, s2;
	p2 =	seq.s32 @!p0 s5, $0x0  }
0x1f: {  	s9 =	smul.u32 $0xF7A, s1;
	s8 =	simm.s32 @!p0 $0x1BF5;
	p2 =	por !p2, p0  }
0x20: {  	[sflag:s8] =	ssyncset.s32 @!p0 $0xFFFFF086;
	s6 =	sadd.s32 @!p0 s3, s7;
	s7 =	simm.s32 @!p0 $0x108  }
0x21: {  	s3 =	sadd.s32 s3, s9;
	s6 =	sadd.s32 @!p0 $0x88, s6;
	s7 =	simm.s32 @p2 $0x1082  }
0x22: {  	[simem:s7], [sflag:s8] =	dma.local @!p0 [hbm:s6], $0xF7A  }
0x23: {  	s9 =	sor.u32 $0xD0000000, s2;
	s6 =	simm.s32 $0x108;
	_ =	swait.ge @!p0 [sflag:s8], $0x0  }
0x24: {  	s3 =	sadd.s32 $0x88, s3;
	s6 =	simm.s32 @!p1 $0x1082;
	[sflag:s4] =	ssyncset.s32 $0xFFFFF086  }
0x25: {  	[simem:s6], [sflag:s4] =	dma.local [hbm:s3], $0xF7A  }
0x26: {  	[smem:$0x3F9D] =	sst s1;
	(tag) =	ssettag s2;
	_ =	strace s9  }
0x27: {  	s1 =	sld [smem:$0x3FAD]  }
0x28: {  	s2 =	sld [smem:$0x3FAE]  }
0x29: {  	s4 =	sld [smem:$0x3FB0]  }
0x2a: {  	p0 =	seq.s32 s5, $0x0;
	s5 =	sld [smem:$0x3FB1]  }
0x2b: {  	s6 =	sld [smem:$0x3FB2]  }
0x2c: {  	s7 =	sld [smem:$0x3FB3]  }
0x2d: {  	s3 =	simm.s32 $0x108;
	s8 =	sld [smem:$0x3FB4]  }
0x2e: {  	s3 =	simm.s32 @!p0 $0x1082;
	s9 =	sld [smem:$0x3FB5]  }
0x2f: {  	lr =	sadd.s32 s0, s3;
	s0 =	sld [smem:$0x3FAC]  }
0x30: {  	s3 =	sld [smem:$0x3FAF]  }
0x31: {  	[smem:$0x3FB8] =	sst s10  }
0x32: {  	s10 =	sld [smem:$0x3FB6];
	_ =	sdelay $0x3  }
0x33: {  	p0 =	seq.s32 s10, $0x1;
	s10 =	sld [smem:$0x3FB8];
	_ =	sdelay $0x3  }
0x34: {  	[smem:$0x3FB8] =	sst s10  }
0x35: {  	s10 =	sld [smem:$0x3FB7];
	_ =	sdelay $0x3  }
0x36: {  	p1 =	seq.s32 s10, $0x1;
	s10 =	sld [smem:$0x3FB8];
	_ =	sdelay $0x3  }
0x37: {  	[smem:$0x3FB8] =	sst s10  }
0x38: {  	s10 =	sld [smem:$0x3FB9]  }
0x39: {  	_ = 	snop;
	(pc) =	sbr.ind lr, $3  }
0x3a: {  	_ = 	snop  }
0x3b: {  	_ = 	snop  }
0x3c: {  	p2 =	seq.s32 s10, $0x1;
	s10 =	sld [smem:$0x3FB8]  }
0x3d: {  	_ =	shalt  }
0x3e: {  	_ =	shalt  }
0x3f: {  	_ =	shalt  }
0x40: {  	_ =	shalt  }
0x41: {  	_ =	shalt  }
0x42: {  	_ =	shalt  }
0x43: {  	_ =	shalt  }
0x44: {  	_ =	shalt  }
0x45: {  	_ =	shalt  }
0x46: {  	_ =	shalt  }
0x47: {  	_ =	shalt  }
0x48: {  	_ =	shalt  }
0x49: {  	_ =	shalt  }
0x4a: {  	_ =	shalt  }
0x4b: {  	_ =	shalt  }
0x4c: {  	_ =	shalt  }
0x4d: {  	_ =	shalt  }
0x4e: {  	_ =	shalt  }
0x4f: {  	_ =	shalt  }
0x50: {  	_ =	shalt  }
0x51: {  	_ =	shalt  }
0x52: {  	_ =	shalt  }
0x53: {  	_ =	shalt  }
0x54: {  	_ =	shalt  }
0x55: {  	_ =	shalt  }
0x56: {  	_ =	shalt  }
0x57: {  	_ =	shalt  }
0x58: {  	_ =	shalt  }
0x59: {  	_ =	shalt  }
0x5a: {  	_ =	shalt  }
0x5b: {  	_ =	shalt  }
0x5c: {  	_ =	shalt  }
0x5d: {  	_ =	shalt  }
0x5e: {  	_ =	shalt  }
0x5f: {  	_ =	shalt  }
0x60: {  	_ =	shalt  }
0x61: {  	_ =	shalt  }
0x62: {  	_ =	shalt  }
0x63: {  	_ =	shalt  }
0x64: {  	_ =	shalt  }
0x65: {  	_ =	shalt  }
0x66: {  	_ =	shalt  }
0x67: {  	_ =	shalt  }
0x68: {  	_ =	shalt  }
0x69: {  	_ =	shalt  }
0x6a: {  	_ =	shalt  }
0x6b: {  	_ =	shalt  }
0x6c: {  	_ =	shalt  }
0x6d: {  	_ =	shalt  }
0x6e: {  	_ =	shalt  }
0x6f: {  	_ =	shalt  }
0x70: {  	_ =	shalt  }
0x71: {  	_ =	shalt  }
0x72: {  	_ =	shalt  }
0x73: {  	_ =	shalt  }
0x74: {  	_ =	shalt  }
0x75: {  	_ =	shalt  }
0x76: {  	_ =	shalt  }
0x77: {  	_ =	shalt  }
0x78: {  	_ =	shalt  }
0x79: {  	_ =	shalt  }
0x7a: {  	_ =	shalt  }
0x7b: {  	_ =	shalt  }
0x7c: {  	_ =	shalt  }
0x7d: {  	_ =	shalt  }
0x7e: {  	_ =	shalt  }
0x7f: {  	_ =	shalt  }
0x80: {  	_ =	shalt  }
0x81: {  	_ =	shalt  }
0x82: {  	_ =	shalt  }
0x83: {  	_ =	shalt  }
0x84: {  	_ =	shalt  }
0x85: {  	_ =	shalt  }
0x86: {  	_ =	shalt  }
0x87: {  	_ =	shalt  }
.Lfunc_end0:
.L_simem_size_0:
called_computation_lowered:
.L_overlay_start_0:
0x88: {  	s2 =	sld [smem:$0x3FD9]  }
0x89: {  	s3 =	sld [smem:$0x3FFE];
	_ =	sdelay $0x1  }
0x8a: {  	s1 =	srdreg.scid  }
0x8b: {  	s0 =	sand.u32 $0x1, s1  }
0x8c: {  	s17 =	sshll.u32 s0, $0xA;
	s2 =	sadd.s32 s3, s2  }
0x8d: {  	s2 =	sadd.s32 s2, s17  }
0x8e: {  	[smem:$0x3FC4] =	sst s2  }
0x8f: {  	_ = 	snop  }
0x90: {  	s2 =	sld [smem:$0x3FC9]  }
0x91: {  	s18 =	sld [smem:$0x3FD0];
	(tm) =	ssettm $0x1  }
0x92: {  	s4 =	sld [smem:$0x3FFB];
	_ =	sdelay $0x3  }
0x93: {  	_ =	strace s4  }
0x94: {  	s4 =	sld [smem:$0x3FFC];
	_ =	sdelay $0x3  }
0x95: {  	_ =	strace s4  }
0x96: {  	s4 =	sld [smem:$0x3FFD];
	_ =	sdelay $0x3  }
0x97: {  	_ =	strace s4  }
0x98: {  	_ =	strace $0x8FFFFFFF  }
0x99: {  	s19 =	sld [smem:$0x3FDB];
	_ =	sdelay $0x1  }
0x9a: {  	s5 =	simm.s32 $_scs_section_size  }
0x9b: {  	s6 =	simm.s32 $_size__tile_overlayer_lowered;
	s7 =	simm.s32 $_tile_overlayer_lowered  }
0x9c: {  	s22 =	simm.s32 $0x1BFF;
	s21 =	sshll.u32 s7, $0x1;
	s4 =	sadd.s32 s5, s19  }
0x9d: {  	s8 =	simm.s32 $0x0;
	s20 =	sshll.u32 s6, $0x1;
	s6 =	sadd.s32 s21, s4  }
0x9e: {  	[timem:s8], [sflag:s22] =	dma.local [hbm:s6], s20  }
0x9f: {  	_ =	swait.ge [sflag:s22], s20  }
0xa0: {  	s5 =	ssub.s32 $0x0, s20;
	[sflag:s22] =	ssyncset.done $0x0  }
0xa1: {  	[sflag:s22] =	ssyncadd.s32 s5;
	_ =	sdelay $0x1  }
0xa2: {  	s23 =	simm.s32 $0x1B8B  }
0xa3: {  	_ =	swait.ge [sflag:s23], $0x1  }
0xa4: {  	[sflag:s23] =	ssyncset.done $0x0  }
0xa5: {  	s25 =	simm.s32 $0x1B8E;
	s24 =	sld [smem:$0x3FFE];
	[sflag:s23] =	ssyncadd.s32 $0xFFFFFFFF  }
0xa6: {  	s26 =	simm.s32 $execute0_lowered;
	[smem:$0x3FD2] =	sst s25  }
0xa7: {  	s6 =	sshll.u32 s26, $0x1;
	_ =	strace $0x80000046;
	[dreg:$0x1] =	wrdreg $0xFFFFFFFF  }
0xa8: {  	s28 =	simm.s32 $_size_execute0_lowered;
	s4 =	sadd.s32 s4, s6;
	[dreg:$0x0] =	wrdreg $0x0  }
0xa9: {  	s6 =	sshll.u32 s28, $0x1;
	[dreg:$0x2] =	wrdreg s4  }
0xaa: {  	[dreg:$0x3] =	wrdreg s6  }
0xab: {  	[dreg:$0x4] =	wrdreg $0xC0  }
0xac: {  	_ =	task [dreg:s8], $0x5FFFF  }
0xad: {  	[dreg:$0x1] =	wrdreg $0xFFFFFFFF  }
0xae: {  	[dreg:$0x0] =	wrdreg $0x60  }
0xaf: {  	[dreg:$0x2] =	wrdreg s2  }
0xb0: {  	[dreg:$0x3] =	wrdreg s24  }
0xb1: {  	[dreg:$0x4] =	wrdreg s18  }
0xb2: {  	[dreg:$0x5] =	wrdreg $0x1C8000  }
0xb3: {  	[dreg:$0x6] =	wrdreg $0x9  }
0xb4: {  	_ =	task.clear_ibuf [dreg:s8], $0x7FFFF;
	_ =	strace $0x90000046  }
0xb5: {  	s29 =	simm.s32 $0x9;
	_ =	strace $0x80000048  }
0xb6: {  	_ =	swait.ge [sflag:s29], $0x1  }
0xb7: {  	[sflag:s29] =	ssyncadd.s32 $0xFFFFFFFF  }
0xb8: {  	_ =	strace $0x90000048  }
0xb9: {  	_ =	sfence  }
0xba: {  	s30 =	sld [smem:$0x0];
	_ =	sdelay $0x2  }
0xbb: {  	s31 =	sshll.u32 s1, $0xD;
	s1 =	sshrl.u32 s1, $0x2  }
0xbc: {  	s3 =	sand.u32 $0x4000, s31;
	s1 =	sadd.s32 s1, s30  }
0xbd: {  	s0 =	sor.u32 s3, s0;
	s1 =	sshll.u32 s1, $0x11  }
0xbe: {  	s0 =	sor.u32 s1, s0  }
0xbf: {  	s0 =	sadd.s32 $0x8F2B, s0  }
0xc0: {  	[sflag:s0] =	ssyncadd.remote.s32 $0x1  }
0xc1: {  	_ =	sfence.sel $0xFFFF  }
0xc2: {  	[dreg:$0x0] =	wrdreg $0xFFFFFFFF;
	(pc) =	sbr.abs _section_cstart, $3  }
0xc3: {  	[dreg:$0x1] =	wrdreg $0xFFFFFFFF  }
0xc4: {  	_ =	task.clear_ibuf [dreg:s8], $0x2FFFF;
	_ =	strace $0x9FFFFFFF  }
0xc5: {  	(tm) =	ssettm $0x7FFFFFFF  }
tec
execute0_lowered:
.L_overlay_start_1:
0x0: {  	(tag) =	ssettag $0x1  }
0x1: {  	s6 =	rddreg [dreg:$0x0]  }
0x2: {  	s5 =	rddreg [dreg:$0x1]  }
0x3: {  	s8 =	rddreg [dreg:$0x2]  }
0x4: {  	s1 =	srdreg.scid;
	s0 =	stileid.u32  }
0x5: {  	s2 =	rddreg [dreg:$0x3];
	s3 =	simm.s32 $0x0;
	s14 =	simm.s32 $0x200  }
0x6: {  	s15 =	simm.s32 $0x6400;
	s16 =	simm.s32 $0x1;
	s17 =	simm.s32 $0xE400  }
0x7: {  	s18 =	simm.s32 $0x2;
	s19 =	simm.s32 $0x6200;
	s20 =	simm.s32 $0x1C400  }
0x8: {  	s21 =	simm.s32 $0x1C600;
	s4 =	sand.u32 $0x1, s1;
	s1 =	rddreg [dreg:$0x4]  }
0x9: {  	s22 =	simm.s32 $0x0;
	s7 =	sshll.u32 s0, $0x1;
	[smem:$0x7FF] =	sst s3  }
0xa: {  	s29 =	sshll.u32 s0, $0xD;
	s31 =	sshll.u32 s0, $0x6;
	s7 =	sor.u32 s4, s7  }
0xb: {  	s10 =	ssub.s32 $0x2, s4;
	_ =	strace $0x80000047;
	s4 =	sadd.s32 $0xF42C00, s5  }
0xc: {  	s13 =	sadd.s32 s29, s2;
	s9 =	smul.u32 $0xC80, s7;
	s11 =	sshrl.u32 s10, $0x1  }
0xd: {  	s30 =	sshll.u32 s7, $0xA;
	s13 =	sshrl.u32 s13, $0x3;
	s10 =	ssub.s32 s10, s11  }
0xe: {  	s8 =	sadd.s32 s8, s30;
	s11 =	simm.s32 $0x16400;
	s12 =	sadd.s32 s9, s5  }
0xf: {  	s5 =	sadd.s32 $0x19800, s5;
	s6 =	sadd.s32 s6, s9;
	s9 =	smax.u32 s10, $0x1  }
0x10: {  	s10 =	simm.s32 $0x3;
	s7 =	sadd.s32 $0x800, s12;
	s12 =	sor.u32 $0x1C03, s31  }
.LBB2_1:
0x11: {  	[tilespmem:s3], [sflag:$0x3] =	stream.linear.gather [hbm4b:s6+s3], $0x6400, $0x38;
	[tilespmem:$0x1E800] =	vst v63  }
0x12: {  	_ =	swait.ge [sflag:s10], $0x6400  }
0x13: {  	[sflag:s10] =	ssyncset.done $0x0  }
0x14: {  	[sflag:s10] =	ssyncadd.s32 $0xFFFF9C00  }
0x15: {  	[tilespmem:s11], [sflag:$0x3] =	stream.linear.gather [hbm4b:s7+s3], $0x6400, $0x38;
	[tilespmem:$0x1E800] =	vst v63  }
0x16: {  	_ =	swait.ge [sflag:s10], $0x6400  }
0x17: {  	[sflag:s10] =	ssyncset.done $0x0  }
0x18: {  	[sflag:s10] =	ssyncadd.s32 $0xFFFF9C00  }
0x19: {  	[spmem:s13], [sflag:s12] =	dma.local [hbm:s5], $0x400  }
0x1a: {  	_ =	swait.ge [sflag:s10], $0x400  }
0x1b: {  	[sflag:s10] =	ssyncset.done $0x0  }
0x1c: {  	[sflag:s10] =	ssyncadd.s32 $0xFFFFFC00  }
0x1d: {  	[tilespmem:s15], [sflag:$0x1] =	stream.indirect.gather [hbm4b:s4+s14], $0x40, s3, s14, $0xb8;
	[tilespmem:$0x1E800] =	vst v63  }
0x1e: {  	_ =	swait.ge [sflag:s16], $0x8000  }
0x1f: {  	[sflag:s16] =	ssyncset.done $0x0  }
0x20: {  	s23 =	simm.s32 $0x200;
	[sflag:s16] =	ssyncadd.s32 $0xFFFF8000  }
0x21: {  	[tilespmem:s17], [sflag:$0x2] =	stream.indirect.gather [hbm4b:s4+s14], $0x40, s23, s14, $0xb8;
	[tilespmem:$0x1E800] =	vst v63  }
0x22: {  	s29 =	simm.s32 $0x16400  }
0x23: {  	[spmem:s2] =	stream.indirect.scatter.add.f32 [tilespmem:s15], [sflag:$0x3], $0x40, s29, s14, $0xb8;
	[tilespmem:$0x1E800] =	vst v63  }
0x24: {  	_ =	swait.ge [sflag:s10], $0x8000  }
0x25: {  	[sflag:s10] =	ssyncset.done $0x0  }
0x26: {  	[sflag:s10] =	ssyncadd.s32 $0xFFFF8000  }
0x27: {  	_ =	swait.ge [sflag:s18], $0x8000  }
0x28: {  	[sflag:s18] =	ssyncset.done $0x0  }
0x29: {  	s30 =	simm.s32 $0x400;
	[sflag:s18] =	ssyncadd.s32 $0xFFFF8000  }
0x2a: {  	[tilespmem:s15], [sflag:$0x1] =	stream.indirect.gather [hbm4b:s4+s14], $0x40, s30, s14, $0xb8;
	[tilespmem:$0x1E800] =	vst v63  }
0x2b: {  	s31 =	simm.s32 $0x16600  }
0x2c: {  	[spmem:s2] =	stream.indirect.scatter.add.f32 [tilespmem:s17], [sflag:$0x3], $0x40, s31, s14, $0xb8;
	[tilespmem:$0x1E800] =	vst v63  }
0x2d: {  	_ =	swait.ge [sflag:s10], $0x8000  }
0x2e: {  	s23 =	simm.s32 $0x1000;
	[sflag:s10] =	ssyncset.done $0x0  }
.LBB2_2:
0x2f: {  	p0 =	sne.s32 s23, $0x17000  }
0x30: {  	[sflag:s10] =	ssyncadd.s32 $0xFFFF8000;
	s24 =	smov.u32 s23;
	s23 =	sadd.s32 $0x1000, s23  }
0x31: {  	_ = 	snop  }
0x32: {  	_ =	swait.ge [sflag:s16], $0x8000  }
0x33: {  	s24 =	sshra.s32 s24, $0x2;
	[sflag:s16] =	ssyncset.done $0x0  }
0x34: {  	s25 =	sadd.s32 $0x200, s24;
	[sflag:s16] =	ssyncadd.s32 $0xFFFF8000  }
0x35: {  	[tilespmem:s17], [sflag:$0x2] =	stream.indirect.gather [hbm4b:s4+s14], $0x40, s25, s14, $0xb8;
	[tilespmem:$0x1E800] =	vst v63  }
0x36: {  	s25 =	sadd.s32 $0x16400, s24  }
0x37: {  	[spmem:s2] =	stream.indirect.scatter.add.f32 [tilespmem:s15], [sflag:$0x3], $0x40, s25, s14, $0xb8;
	[tilespmem:$0x1E800] =	vst v63  }
0x38: {  	_ =	swait.ge [sflag:s10], $0x8000  }
0x39: {  	[sflag:s10] =	ssyncset.done $0x0  }
0x3a: {  	[sflag:s10] =	ssyncadd.s32 $0xFFFF8000  }
0x3b: {  	_ =	swait.ge [sflag:s18], $0x8000  }
0x3c: {  	[sflag:s18] =	ssyncset.done $0x0  }
0x3d: {  	s25 =	sadd.s32 $0x400, s24;
	[sflag:s18] =	ssyncadd.s32 $0xFFFF8000  }
0x3e: {  	[tilespmem:s15], [sflag:$0x1] =	stream.indirect.gather [hbm4b:s4+s14], $0x40, s25, s14, $0xb8;
	[tilespmem:$0x1E800] =	vst v63  }
.Ltmp0:
0x3f: {  	_ = 	snop;
	(pc) =	sbr.rel @p0 .LBB2_2-.Ltmp0, $4  }
0x40: {  	s24 =	sadd.s32 $0x16600, s24  }
0x41: {  	[spmem:s2] =	stream.indirect.scatter.add.f32 [tilespmem:s17], [sflag:$0x3], $0x40, s24, s14, $0xb8;
	[tilespmem:$0x1E800] =	vst v63  }
0x42: {  	_ =	swait.ge [sflag:s10], $0x8000  }
0x43: {  	[sflag:s10] =	ssyncset.done $0x0  }
0x44: {  	[sflag:s10] =	ssyncadd.s32 $0xFFFF8000  }
0x45: {  	_ =	swait.ge [sflag:s16], $0x8000  }
0x46: {  	[sflag:s16] =	ssyncset.done $0x0  }
0x47: {  	[sflag:s16] =	ssyncadd.s32 $0xFFFF8000  }
0x48: {  	[tilespmem:s17], [sflag:$0x2] =	stream.indirect.gather [hbm4b:s4+s14], $0x40, s19, s14, $0xb8;
	[tilespmem:$0x1E800] =	vst v63  }
0x49: {  	_ = 	snop  }
0x4a: {  	[spmem:s2] =	stream.indirect.scatter.add.f32 [tilespmem:s15], [sflag:$0x3], $0x40, s20, s14, $0xb8;
	[tilespmem:$0x1E800] =	vst v63  }
0x4b: {  	_ =	swait.ge [sflag:s10], $0x8000  }
0x4c: {  	[sflag:s10] =	ssyncset.done $0x0  }
0x4d: {  	[sflag:s10] =	ssyncadd.s32 $0xFFFF8000  }
0x4e: {  	_ =	swait.ge [sflag:s18], $0x8000  }
0x4f: {  	[sflag:s18] =	ssyncset.done $0x0  }
0x50: {  	[sflag:s18] =	ssyncadd.s32 $0xFFFF8000  }
0x51: {  	[spmem:s2] =	stream.indirect.scatter.add.f32 [tilespmem:s17], [sflag:$0x3], $0x40, s21, s14, $0xb8;
	[tilespmem:$0x1E800] =	vst v63  }
0x52: {  	s22 =	sadd.s32 $0x1, s22;
	_ =	swait.ge [sflag:s10], $0x8000  }
0x53: {  	p0 =	sne.s32 s22, s9;
	[sflag:s10] =	ssyncset.done $0x0  }
.Ltmp1:
0x54: {  	[sflag:s10] =	ssyncadd.s32 $0xFFFF8000;
	(pc) =	sbr.rel @p0 .LBB2_1-.Ltmp1, $4  }
0x55: {  	[hbm:s8], [sflag:s12] =	dma.local [spmem:s13], $0x400  }
0x56: {  	_ =	swait.ge [sflag:s10], $0x400  }
0x57: {  	[sflag:s10] =	ssyncset.done $0x0  }
0x58: {  	[sflag:s10] =	ssyncadd.s32 $0xFFFFFC00  }
0x59: {  	_ =	sfence.sel $0x180000  }
0x5a: {  	[bflag:$0x0] =	sbarrier.arrive $0xFFFF  }
0x5b: {  	p0 =	sne.s32 s0, $0x0;
	_ =	strace $0x90000047  }
0x5c: {  	s0 =	sadd.s32 @!p0 $0x100000, s1;
	[bflag:$0x2] =	sbarrier.arrive $0xFFFF  }
0x5d: {  	[sflag:s0] =	ssyncadd.tile.s32 @!p0 $0x1;
	_ =	shalt  }
.Lfunc_end2:
_tile_overlayer_lowered:
.L_overlay_start_2:
0x5e: {  	(tag) =	ssettag $0x2  }
0x5f: {  	s0 =	rddreg [dreg:$0x0];
	s2 =	stileid.u32  }
0x60: {  	s1 =	rddreg [dreg:$0x1];
	p0 =	sne.s32 s2, $0x0  }
0x61: {  	s3 =	rddreg [dreg:$0x2];
	[bflag:$0x3] =	sbarrier.arrive $0xFFFF;
	s2 =	simm.s32 @!p0 $0x1C03  }
0x62: {  	[timem:s3], [sflag:s2] =	dma.local @!p0 [hbm:s0], s1  }
0x63: {  	s0 =	simm.s32 @!p0 $0x3  }
0x64: {  	_ =	swait.ge @!p0 [sflag:s0], s1  }
0x65: {  	s1 =	ssub.s32 @!p0 $0x0, s1;
	[sflag:s0] =	ssyncset.done @!p0 $0x0  }
0x66: {  	[sflag:s0] =	ssyncadd.s32 @!p0 s1  }
0x67: {  	[bflag:$0x3] =	sbarrier.arrive $0xFFFF  }
0x68: {  	_ =	shalt  }

</sc_bundles>
